<compile_context>
chip_gen: v7x
topology: tpu7x:2x2x1
jax: 0.10.2.dev20260603
libtpu: 0.0.44.dev20260713+nightly
codegen_flags: <defaults>
</compile_context>

<pallas_src>
import functools

import jax
import jax.numpy as jnp
from jax import lax
from jax.experimental import pallas as pl
from jax.experimental.pallas import tpu as pltpu
from jax.experimental.pallas import tpu_sc as plsc

N = 100000
LANES = 16
NUM_CORES = 1
NUM_SUBCORES = 16
NUM_WORKERS = NUM_CORES * NUM_SUBCORES
CHUNK = 6256
LAST_BASE = N - CHUNK
TABLE = 100
TABLE_PAD = 128


def _sc_gather_refs(atoms, table):
    mesh = plsc.VectorSubcoreMesh(
        core_axis_name="c", subcore_axis_name="s", num_cores=1)

    @functools.partial(
        pl.kernel,
        mesh=mesh,
        out_type=jax.ShapeDtypeStruct((N,), jnp.float32),
        compiler_params=pltpu.CompilerParams(needs_layout_passes=False),
        scratch_types=[
            pltpu.VMEM((TABLE_PAD,), jnp.float32),
            pltpu.VMEM((CHUNK,), jnp.int32),
            pltpu.VMEM((CHUNK,), jnp.float32),
            pltpu.SemaphoreType.DMA,
            pltpu.SemaphoreType.DMA,
            pltpu.SemaphoreType.DMA,
            pltpu.SemaphoreType.DMA,
        ],
    )
    def k(a_hbm, t_hbm, out_hbm, table_v, idx_v, o_v, sem_t, sem_i, sem_i2,
          sem_o):
        wid = lax.axis_index("s") * NUM_CORES + lax.axis_index("c")
        base = pl.multiple_of(lax.min(wid * CHUNK, LAST_BASE), 8)
        half = CHUNK // 2
        cp_t = pltpu.async_copy(t_hbm, table_v.at[pl.ds(0, TABLE)], sem_t)
        cp_i = pltpu.async_copy(
            a_hbm.at[pl.ds(base, half)], idx_v.at[pl.ds(0, half)], sem_i)
        cp_i2 = pltpu.async_copy(
            a_hbm.at[pl.ds(base + half, half)], idx_v.at[pl.ds(half, half)],
            sem_i2)
        cp_t.wait()
        cp_i.wait()

        @plsc.parallel_loop(0, half, LANES, unroll=8)
        def _first(off):
            iv = idx_v[pl.ds(off, LANES)]
            o_v[pl.ds(off, LANES)] = plsc.load_gather(table_v, [iv])

        cp_o = pltpu.async_copy(
            o_v.at[pl.ds(0, half)], out_hbm.at[pl.ds(base, half)], sem_o)
        cp_i2.wait()

        @plsc.parallel_loop(half, CHUNK, LANES, unroll=8)
        def _second(off):
            iv = idx_v[pl.ds(off, LANES)]
            o_v[pl.ds(off, LANES)] = plsc.load_gather(table_v, [iv])

        cp_o.wait()
        pltpu.sync_copy(o_v.at[pl.ds(half, half)],
                        out_hbm.at[pl.ds(base + half, half)])

    return k(atoms, table)


def kernel(atomwise_energies, atoms, atom_refs):
    table = atom_refs.reshape(TABLE)
    refs = _sc_gather_refs(atoms.astype(jnp.int32), table)
    return atomwise_energies + refs.reshape(N, 1)

# --- scband reference (transcript-rebuilt; emitter-appended) ---
"""Pipeline reference for scband-add-atomic-references-58506044506289 (READ-ONLY COPY).

The authoritative reference and input builder live on the scoring server;
editing this copy changes nothing except your own understanding.
"""

import jax, jax.numpy as jnp
import numpy as np

NUM_NODES = 100000
NUM_ATOM_TYPES = 100
NUM_TARGETS = 1

def setup_inputs(seed: int = 0) -> dict:
    key = jax.random.key(seed)
    k1, k2 = jax.random.split(key)
    atomwise_energies = jax.random.normal(k1, (NUM_NODES, NUM_TARGETS), dtype=jnp.float32)
    atoms = jax.random.randint(k2, (NUM_NODES,), 0, NUM_ATOM_TYPES, dtype=jnp.int64 if jax.config.jax_enable_x64 else jnp.int32)
    # Frozen embedding table [num_atom_types, 1], matching init_kwargs (arange * 0.1)
    atom_refs = (jnp.arange(NUM_ATOM_TYPES, dtype=jnp.float32) * 0.1).reshape(NUM_ATOM_TYPES, 1)
    return {"atomwise_energies": atomwise_energies, "atoms": atoms, "atom_refs": atom_refs}

def reference(atomwise_energies, atoms, atom_refs):
    # nn.Embedding lookup -> jnp.take(table, idx, axis=0)
    refs = jnp.take(atom_refs, atoms, axis=0)  # [num_nodes, 1]
    return atomwise_energies + refs

if __name__ == "__main__":
    import jax
    _d = setup_inputs()
    print(jax.jit(kernel)(*tuple(_d.values())))

</pallas_src>

<mosaic_0001>
#map = affine_map<(d0, d1) -> (0)>
module attributes {stable_mosaic.version = 14 : i64} {
  func.func @k(%arg0: i32, %arg1: i32, %arg2: memref<100000xi32, #tpu.memory_space<hbm>>, %arg3: memref<100xf32, #tpu.memory_space<hbm>>, %arg4: memref<100000xf32, #tpu.memory_space<hbm>>, %arg5: memref<128xf32, #tpu.memory_space<vmem>>, %arg6: memref<6256xi32, #tpu.memory_space<vmem>>, %arg7: memref<6256xf32, #tpu.memory_space<vmem>>, %arg8: memref<!tpu.dma_semaphore, #tpu.memory_space<semaphore_mem>>, %arg9: memref<!tpu.dma_semaphore, #tpu.memory_space<semaphore_mem>>, %arg10: memref<!tpu.dma_semaphore, #tpu.memory_space<semaphore_mem>>, %arg11: memref<!tpu.dma_semaphore, #tpu.memory_space<semaphore_mem>>) attributes {dimension_semantics = [#tpu.dimension_semantics<core_parallel>, #tpu.dimension_semantics<subcore_parallel>], iteration_bounds = array<i64: 1, 16>, scalar_prefetch = 0 : i64, scratch_operands = 7 : i64, tpu.core_type = #tpu.core_type<sc_vector_subcore>, window_params = [{transform_indices = #map}, {transform_indices = #map}, {transform_indices = #map}]} {
    %mul3A = arith.constant 1 : i32
    %mul3A_0 = arith.muli %arg1, %mul3A : i32
    %add3A = arith.addi %mul3A_0, %arg0 : i32
    %mul3A_1 = arith.constant 6256 : i32
    %mul3A_2 = arith.muli %add3A, %mul3A_1 : i32
    %min3A = arith.constant 93744 : i32
    %min3A_3 = arith.minsi %mul3A_2, %min3A : i32
    %multiple_of3A = tpu.assume_multiple %min3A_3, 8 : i32
    %dma_start3A = arith.constant 0 : i32
    %dma_start3A_4 = tpu.memref_slice %arg5[%dma_start3A] : memref<128xf32, #tpu.memory_space<vmem>> -> memref<100xf32, #tpu.memory_space<vmem>>
    %dma_start3A_5 = arith.constant 0 : i32
    %dma_start3A_6 = tpu.memref_slice %arg5[%dma_start3A_5] : memref<128xf32, #tpu.memory_space<vmem>> -> memref<100xf32, #tpu.memory_space<vmem>>
    tpu.enqueue_dma source(%arg3 : memref<100xf32, #tpu.memory_space<hbm>>) target(%dma_start3A_6 : memref<100xf32, #tpu.memory_space<vmem>>) target_semaphore(%arg8 : memref<!tpu.dma_semaphore, #tpu.memory_space<semaphore_mem>>)
    %dma_start3A_7 = arith.constant 0 : i32
    %dma_start3A_8 = tpu.memref_slice %arg6[%dma_start3A_7] : memref<6256xi32, #tpu.memory_space<vmem>> -> memref<3128xi32, #tpu.memory_space<vmem>>
    %dma_start3A_9 = tpu.memref_slice %arg2[%multiple_of3A] : memref<100000xi32, #tpu.memory_space<hbm>> -> memref<3128xi32, #tpu.memory_space<hbm>>
    %dma_start3A_10 = arith.constant 0 : i32
    %dma_start3A_11 = tpu.memref_slice %arg6[%dma_start3A_10] : memref<6256xi32, #tpu.memory_space<vmem>> -> memref<3128xi32, #tpu.memory_space<vmem>>
    %dma_start3A_12 = tpu.memref_slice %arg2[%multiple_of3A] : memref<100000xi32, #tpu.memory_space<hbm>> -> memref<3128xi32, #tpu.memory_space<hbm>>
    tpu.enqueue_dma source(%dma_start3A_12 : memref<3128xi32, #tpu.memory_space<hbm>>) target(%dma_start3A_11 : memref<3128xi32, #tpu.memory_space<vmem>>) target_semaphore(%arg9 : memref<!tpu.dma_semaphore, #tpu.memory_space<semaphore_mem>>)
    %add3A_13 = arith.constant 3128 : i32
    %add3A_14 = arith.addi %multiple_of3A, %add3A_13 : i32
    %dma_start3A_15 = arith.constant 3128 : i32
    %dma_start3A_16 = tpu.memref_slice %arg6[%dma_start3A_15] : memref<6256xi32, #tpu.memory_space<vmem>> -> memref<3128xi32, #tpu.memory_space<vmem>>
    %dma_start3A_17 = tpu.memref_slice %arg2[%add3A_14] : memref<100000xi32, #tpu.memory_space<hbm>> -> memref<3128xi32, #tpu.memory_space<hbm>>
    %dma_start3A_18 = arith.constant 3128 : i32
    %dma_start3A_19 = tpu.memref_slice %arg6[%dma_start3A_18] : memref<6256xi32, #tpu.memory_space<vmem>> -> memref<3128xi32, #tpu.memory_space<vmem>>
    %dma_start3A_20 = tpu.memref_slice %arg2[%add3A_14] : memref<100000xi32, #tpu.memory_space<hbm>> -> memref<3128xi32, #tpu.memory_space<hbm>>
    tpu.enqueue_dma source(%dma_start3A_20 : memref<3128xi32, #tpu.memory_space<hbm>>) target(%dma_start3A_19 : memref<3128xi32, #tpu.memory_space<vmem>>) target_semaphore(%arg10 : memref<!tpu.dma_semaphore, #tpu.memory_space<semaphore_mem>>)
    %dma_wait3A = arith.constant 0 : i32
    %dma_wait3A_21 = tpu.memref_slice %arg5[%dma_wait3A] : memref<128xf32, #tpu.memory_space<vmem>> -> memref<100xf32, #tpu.memory_space<vmem>>
    %dma_wait3A_22 = arith.constant 0 : i32
    %dma_wait3A_23 = tpu.memref_slice %arg5[%dma_wait3A_22] : memref<128xf32, #tpu.memory_space<vmem>> -> memref<100xf32, #tpu.memory_space<vmem>>
    tpu.wait_dma2 semaphore(%arg8 : memref<!tpu.dma_semaphore, #tpu.memory_space<semaphore_mem>>) src(%arg3 : memref<100xf32, #tpu.memory_space<hbm>>) dst(%dma_wait3A_23 : memref<100xf32, #tpu.memory_space<vmem>>)
    %dma_wait3A_24 = arith.constant 0 : i32
    %dma_wait3A_25 = tpu.memref_slice %arg6[%dma_wait3A_24] : memref<6256xi32, #tpu.memory_space<vmem>> -> memref<3128xi32, #tpu.memory_space<vmem>>
    %dma_wait3A_26 = tpu.memref_slice %arg2[%multiple_of3A] : memref<100000xi32, #tpu.memory_space<hbm>> -> memref<3128xi32, #tpu.memory_space<hbm>>
    %dma_wait3A_27 = arith.constant 0 : i32
    %dma_wait3A_28 = tpu.memref_slice %arg6[%dma_wait3A_27] : memref<6256xi32, #tpu.memory_space<vmem>> -> memref<3128xi32, #tpu.memory_space<vmem>>
    %dma_wait3A_29 = tpu.memref_slice %arg2[%multiple_of3A] : memref<100000xi32, #tpu.memory_space<hbm>> -> memref<3128xi32, #tpu.memory_space<hbm>>
    tpu.wait_dma2 semaphore(%arg9 : memref<!tpu.dma_semaphore, #tpu.memory_space<semaphore_mem>>) src(%dma_wait3A_29 : memref<3128xi32, #tpu.memory_space<hbm>>) dst(%dma_wait3A_28 : memref<3128xi32, #tpu.memory_space<vmem>>)
    %parallel_loop3A = arith.constant 0 : i32
    %parallel_loop3A_30 = arith.constant 3128 : i32
    %parallel_loop3A_31 = arith.constant 16 : i32
    scf.for %parallel_loop3A_55 = %parallel_loop3A to %parallel_loop3A_30 step %parallel_loop3A_31  : i32 {
      %parallel_loop3A_56 = arith.index_cast %parallel_loop3A_55 : i32 to index
      %parallel_loop3A_57 = tpu.vector_load %arg6[%parallel_loop3A_56] {strides = array<i32>} : memref<6256xi32, #tpu.memory_space<vmem>>, vector<16xi32>,
      %parallel_loop3A_58 = tpu.vector_load_idx %arg5[%parallel_loop3A_57] : memref<128xf32, #tpu.memory_space<vmem>>[vector<16xi32>], vector<16xf32>,
      %parallel_loop3A_59 = arith.index_cast %parallel_loop3A_55 : i32 to index
      %parallel_loop3A_60 = tpu.vector_load %arg7[%parallel_loop3A_59] {strides = array<i32>} : memref<6256xf32, #tpu.memory_space<vmem>>, vector<16xf32>,
      tpu.vector_store %arg7[%parallel_loop3A_59], %parallel_loop3A_58 {strides = array<i32>} : memref<6256xf32, #tpu.memory_space<vmem>>, vector<16xf32>,
    } {sc.loop_unroll_factor = 8 : i64, sc.parallel_access}
    %dma_start3A_32 = arith.constant 0 : i32
    %dma_start3A_33 = tpu.memref_slice %arg7[%dma_start3A_32] : memref<6256xf32, #tpu.memory_space<vmem>> -> memref<3128xf32, #tpu.memory_space<vmem>>
    %dma_start3A_34 = tpu.memref_slice %arg4[%multiple_of3A] : memref<100000xf32, #tpu.memory_space<hbm>> -> memref<3128xf32, #tpu.memory_space<hbm>>
    %dma_start3A_35 = tpu.memref_slice %arg4[%multiple_of3A] : memref<100000xf32, #tpu.memory_space<hbm>> -> memref<3128xf32, #tpu.memory_space<hbm>>
    %dma_start3A_36 = arith.constant 0 : i32
    %dma_start3A_37 = tpu.memref_slice %arg7[%dma_start3A_36] : memref<6256xf32, #tpu.memory_space<vmem>> -> memref<3128xf32, #tpu.memory_space<vmem>>
    tpu.enqueue_dma source(%dma_start3A_37 : memref<3128xf32, #tpu.memory_space<vmem>>) target(%dma_start3A_35 : memref<3128xf32, #tpu.memory_space<hbm>>) target_semaphore(%arg11 : memref<!tpu.dma_semaphore, #tpu.memory_space<semaphore_mem>>)
    %dma_wait3A_38 = arith.constant 3128 : i32
    %dma_wait3A_39 = tpu.memref_slice %arg6[%dma_wait3A_38] : memref<6256xi32, #tpu.memory_space<vmem>> -> memref<3128xi32, #tpu.memory_space<vmem>>
    %dma_wait3A_40 = tpu.memref_slice %arg2[%add3A_14] : memref<100000xi32, #tpu.memory_space<hbm>> -> memref<3128xi32, #tpu.memory_space<hbm>>
    %dma_wait3A_41 = arith.constant 3128 : i32
    %dma_wait3A_42 = tpu.memref_slice %arg6[%dma_wait3A_41] : memref<6256xi32, #tpu.memory_space<vmem>> -> memref<3128xi32, #tpu.memory_space<vmem>>
    %dma_wait3A_43 = tpu.memref_slice %arg2[%add3A_14] : memref<100000xi32, #tpu.memory_space<hbm>> -> memref<3128xi32, #tpu.memory_space<hbm>>
    tpu.wait_dma2 semaphore(%arg10 : memref<!tpu.dma_semaphore, #tpu.memory_space<semaphore_mem>>) src(%dma_wait3A_43 : memref<3128xi32, #tpu.memory_space<hbm>>) dst(%dma_wait3A_42 : memref<3128xi32, #tpu.memory_space<vmem>>)
    %parallel_loop3A_44 = arith.constant 3128 : i32
    %parallel_loop3A_45 = arith.constant 6256 : i32
    %parallel_loop3A_46 = arith.constant 16 : i32
    scf.for %parallel_loop3A_55 = %parallel_loop3A_44 to %parallel_loop3A_45 step %parallel_loop3A_46  : i32 {
      %parallel_loop3A_56 = arith.index_cast %parallel_loop3A_55 : i32 to index
      %parallel_loop3A_57 = tpu.vector_load %arg6[%parallel_loop3A_56] {strides = array<i32>} : memref<6256xi32, #tpu.memory_space<vmem>>, vector<16xi32>,
      %parallel_loop3A_58 = tpu.vector_load_idx %arg5[%parallel_loop3A_57] : memref<128xf32, #tpu.memory_space<vmem>>[vector<16xi32>], vector<16xf32>,
      %parallel_loop3A_59 = arith.index_cast %parallel_loop3A_55 : i32 to index
      %parallel_loop3A_60 = tpu.vector_load %arg7[%parallel_loop3A_59] {strides = array<i32>} : memref<6256xf32, #tpu.memory_space<vmem>>, vector<16xf32>,
      tpu.vector_store %arg7[%parallel_loop3A_59], %parallel_loop3A_58 {strides = array<i32>} : memref<6256xf32, #tpu.memory_space<vmem>>, vector<16xf32>,
    } {sc.loop_unroll_factor = 8 : i64, sc.parallel_access}
    %dma_wait3A_47 = arith.constant 0 : i32
    %dma_wait3A_48 = tpu.memref_slice %arg7[%dma_wait3A_47] : memref<6256xf32, #tpu.memory_space<vmem>> -> memref<3128xf32, #tpu.memory_space<vmem>>
    %dma_wait3A_49 = tpu.memref_slice %arg4[%multiple_of3A] : memref<100000xf32, #tpu.memory_space<hbm>> -> memref<3128xf32, #tpu.memory_space<hbm>>
    %dma_wait3A_50 = tpu.memref_slice %arg4[%multiple_of3A] : memref<100000xf32, #tpu.memory_space<hbm>> -> memref<3128xf32, #tpu.memory_space<hbm>>
    %dma_wait3A_51 = arith.constant 0 : i32
    %dma_wait3A_52 = tpu.memref_slice %arg7[%dma_wait3A_51] : memref<6256xf32, #tpu.memory_space<vmem>> -> memref<3128xf32, #tpu.memory_space<vmem>>
    tpu.wait_dma2 semaphore(%arg11 : memref<!tpu.dma_semaphore, #tpu.memory_space<semaphore_mem>>) src(%dma_wait3A_52 : memref<3128xf32, #tpu.memory_space<vmem>>) dst(%dma_wait3A_50 : memref<3128xf32, #tpu.memory_space<hbm>>)
    %add3A_53 = arith.constant 3128 : i32
    %add3A_54 = arith.addi %multiple_of3A, %add3A_53 : i32
    "tpu.region"() ({
      %run_scoped3A = tpu.sem_alloc : memref<!tpu.dma_semaphore, #tpu.memory_space<semaphore_mem>>
      %dma_start3A_55 = arith.constant 3128 : i32
      %dma_start3A_56 = tpu.memref_slice %arg7[%dma_start3A_55] : memref<6256xf32, #tpu.memory_space<vmem>> -> memref<3128xf32, #tpu.memory_space<vmem>>
      %dma_start3A_57 = tpu.memref_slice %arg4[%add3A_54] : memref<100000xf32, #tpu.memory_space<hbm>> -> memref<3128xf32, #tpu.memory_space<hbm>>
      %dma_start3A_58 = tpu.memref_slice %arg4[%add3A_54] : memref<100000xf32, #tpu.memory_space<hbm>> -> memref<3128xf32, #tpu.memory_space<hbm>>
      %dma_start3A_59 = arith.constant 3128 : i32
      %dma_start3A_60 = tpu.memref_slice %arg7[%dma_start3A_59] : memref<6256xf32, #tpu.memory_space<vmem>> -> memref<3128xf32, #tpu.memory_space<vmem>>
      tpu.enqueue_dma source(%dma_start3A_60 : memref<3128xf32, #tpu.memory_space<vmem>>) target(%dma_start3A_58 : memref<3128xf32, #tpu.memory_space<hbm>>) target_semaphore(%run_scoped3A : memref<!tpu.dma_semaphore, #tpu.memory_space<semaphore_mem>>)
      %dma_wait3A_61 = arith.constant 3128 : i32
      %dma_wait3A_62 = tpu.memref_slice %arg7[%dma_wait3A_61] : memref<6256xf32, #tpu.memory_space<vmem>> -> memref<3128xf32, #tpu.memory_space<vmem>>
      %dma_wait3A_63 = tpu.memref_slice %arg4[%add3A_54] : memref<100000xf32, #tpu.memory_space<hbm>> -> memref<3128xf32, #tpu.memory_space<hbm>>
      %dma_wait3A_64 = tpu.memref_slice %arg4[%add3A_54] : memref<100000xf32, #tpu.memory_space<hbm>> -> memref<3128xf32, #tpu.memory_space<hbm>>
      %dma_wait3A_65 = arith.constant 3128 : i32
      %dma_wait3A_66 = tpu.memref_slice %arg7[%dma_wait3A_65] : memref<6256xf32, #tpu.memory_space<vmem>> -> memref<3128xf32, #tpu.memory_space<vmem>>
      tpu.wait_dma2 semaphore(%run_scoped3A : memref<!tpu.dma_semaphore, #tpu.memory_space<semaphore_mem>>) src(%dma_wait3A_66 : memref<3128xf32, #tpu.memory_space<vmem>>) dst(%dma_wait3A_64 : memref<3128xf32, #tpu.memory_space<hbm>>)
      tpu.yield
    }) : () -> ()
    return
  }
}

</mosaic_0001>

<sc_bundles>
// kernel: kernel.3.cloned.1.call-start
scs
__scs_entry_jumppad:
0x0: {  	(pc) =	sbr.rel $0x88, $3  }
0x1: {  	(tag) =	ssettag $0x0;
	lr =	simm.s32 $0x1  }
0x2: {  	[smem:$0x3F9E] =	sst lr;
	_ =	strace $0xD0000000  }
0x3: {  	_ = 	snop  }
0x4: {  	_ = 	snop  }
0x5: {  	_ = 	snop  }
0x6: {  	_ = 	snop  }
0x7: {  	_ = 	snop  }
__scs_overlays_trampoline_lowered:
0x8: {  	[smem:$0x3FAD] =	sst s0  }
0x9: {  	[smem:$0x3FAE] =	sst s1  }
0xa: {  	[smem:$0x3FAF] =	sst s2  }
0xb: {  	[smem:$0x3FB0] =	sst s3  }
0xc: {  	[smem:$0x3FB1] =	sst s4  }
0xd: {  	[smem:$0x3FB2] =	sst s5  }
0xe: {  	[smem:$0x3FB3] =	sst s6  }
0xf: {  	[smem:$0x3FB4] =	sst s7  }
0x10: {  	[smem:$0x3FB5] =	sst s8  }
0x11: {  	[smem:$0x3FB6] =	sst s9;
	s0 =	simm.s32 @!p0 $0x0  }
0x12: {  	s1 =	sld [smem:$0x3F9C];
	s0 =	simm.s32 @p0 $0x1  }
0x13: {  	[smem:$0x3FB7] =	sst s0;
	s0 =	simm.s32 @!p1 $0x0  }
0x14: {  	s2 =	sld [smem:$0x3F9B];
	s0 =	simm.s32 @p1 $0x1  }
0x15: {  	[smem:$0x3FB8] =	sst s0;
	s0 =	simm.s32 @!p2 $0x0  }
0x16: {  	s3 =	sld [smem:$0x3FDB];
	s0 =	simm.s32 @p2 $0x1  }
0x17: {  	s4 =	simm.s32 $0x1BF5;
	[smem:$0x3FBA] =	sst s0  }
0x18: {  	s0 =	sld [smem:$0x3F9D];
	_ =	swait.ge [sflag:s4], $0x0  }
0x19: {  	s7 =	sld [smem:$0x3F9E]  }
0x1a: {  	s8 =	sadd.s32 $0xFFFFE003, lr  }
0x1b: {  	s9 =	sadd.s32 $0xFFFFFEF7, lr;
	s5 =	simm.s32 $0xFFFFFFFF;
	p2 =	slt.u32 s8, $0xFFFFF086  }
0x1c: {  	p1 =	slt.u32 s9, $0xF7A;
	s5 =	simm.s32 @!p2 $0x0  }
0x1d: {  	s5 =	simm.s32 @p1 $0x1;
	p0 =	seq.s32 s7, s2  }
0x1e: {  	s7 =	smul.u32 @!p0 $0xF7A, s2;
	p2 =	seq.s32 @!p0 s5, $0x0  }
0x1f: {  	s9 =	smul.u32 $0xF7A, s1;
	s8 =	simm.s32 @!p0 $0x1BF5;
	p2 =	por !p2, p0  }
0x20: {  	[sflag:s8] =	ssyncset.s32 @!p0 $0xFFFFF086;
	s6 =	sadd.s32 @!p0 s3, s7;
	s7 =	simm.s32 @!p0 $0x108  }
0x21: {  	s3 =	sadd.s32 s3, s9;
	s6 =	sadd.s32 @!p0 $0x88, s6;
	s7 =	simm.s32 @p2 $0x1082  }
0x22: {  	[simem:s7], [sflag:s8] =	dma.local @!p0 [hbm:s6], $0xF7A  }
0x23: {  	s9 =	sor.u32 $0xD0000000, s2;
	s6 =	simm.s32 $0x108;
	_ =	swait.ge @!p0 [sflag:s8], $0x0  }
0x24: {  	s3 =	sadd.s32 $0x88, s3;
	s6 =	simm.s32 @!p1 $0x1082;
	[sflag:s4] =	ssyncset.s32 $0xFFFFF086  }
0x25: {  	[simem:s6], [sflag:s4] =	dma.local [hbm:s3], $0xF7A  }
0x26: {  	[smem:$0x3F9E] =	sst s1;
	(tag) =	ssettag s2;
	_ =	strace s9  }
0x27: {  	s1 =	sld [smem:$0x3FAE]  }
0x28: {  	s2 =	sld [smem:$0x3FAF]  }
0x29: {  	s4 =	sld [smem:$0x3FB1]  }
0x2a: {  	p0 =	seq.s32 s5, $0x0;
	s5 =	sld [smem:$0x3FB2]  }
0x2b: {  	s6 =	sld [smem:$0x3FB3]  }
0x2c: {  	s7 =	sld [smem:$0x3FB4]  }
0x2d: {  	s3 =	simm.s32 $0x108;
	s8 =	sld [smem:$0x3FB5]  }
0x2e: {  	s3 =	simm.s32 @!p0 $0x1082;
	s9 =	sld [smem:$0x3FB6]  }
0x2f: {  	lr =	sadd.s32 s0, s3;
	s0 =	sld [smem:$0x3FAD]  }
0x30: {  	s3 =	sld [smem:$0x3FB0]  }
0x31: {  	[smem:$0x3FB9] =	sst s10  }
0x32: {  	s10 =	sld [smem:$0x3FB7];
	_ =	sdelay $0x3  }
0x33: {  	p0 =	seq.s32 s10, $0x1;
	s10 =	sld [smem:$0x3FB9];
	_ =	sdelay $0x3  }
0x34: {  	[smem:$0x3FB9] =	sst s10  }
0x35: {  	s10 =	sld [smem:$0x3FB8];
	_ =	sdelay $0x3  }
0x36: {  	p1 =	seq.s32 s10, $0x1;
	s10 =	sld [smem:$0x3FB9];
	_ =	sdelay $0x3  }
0x37: {  	[smem:$0x3FB9] =	sst s10  }
0x38: {  	s10 =	sld [smem:$0x3FBA]  }
0x39: {  	_ = 	snop;
	(pc) =	sbr.ind lr, $3  }
0x3a: {  	_ = 	snop  }
0x3b: {  	_ = 	snop  }
0x3c: {  	p2 =	seq.s32 s10, $0x1;
	s10 =	sld [smem:$0x3FB9]  }
0x3d: {  	_ =	shalt  }
0x3e: {  	_ =	shalt  }
0x3f: {  	_ =	shalt  }
0x40: {  	_ =	shalt  }
0x41: {  	_ =	shalt  }
0x42: {  	_ =	shalt  }
0x43: {  	_ =	shalt  }
0x44: {  	_ =	shalt  }
0x45: {  	_ =	shalt  }
0x46: {  	_ =	shalt  }
0x47: {  	_ =	shalt  }
0x48: {  	_ =	shalt  }
0x49: {  	_ =	shalt  }
0x4a: {  	_ =	shalt  }
0x4b: {  	_ =	shalt  }
0x4c: {  	_ =	shalt  }
0x4d: {  	_ =	shalt  }
0x4e: {  	_ =	shalt  }
0x4f: {  	_ =	shalt  }
0x50: {  	_ =	shalt  }
0x51: {  	_ =	shalt  }
0x52: {  	_ =	shalt  }
0x53: {  	_ =	shalt  }
0x54: {  	_ =	shalt  }
0x55: {  	_ =	shalt  }
0x56: {  	_ =	shalt  }
0x57: {  	_ =	shalt  }
0x58: {  	_ =	shalt  }
0x59: {  	_ =	shalt  }
0x5a: {  	_ =	shalt  }
0x5b: {  	_ =	shalt  }
0x5c: {  	_ =	shalt  }
0x5d: {  	_ =	shalt  }
0x5e: {  	_ =	shalt  }
0x5f: {  	_ =	shalt  }
0x60: {  	_ =	shalt  }
0x61: {  	_ =	shalt  }
0x62: {  	_ =	shalt  }
0x63: {  	_ =	shalt  }
0x64: {  	_ =	shalt  }
0x65: {  	_ =	shalt  }
0x66: {  	_ =	shalt  }
0x67: {  	_ =	shalt  }
0x68: {  	_ =	shalt  }
0x69: {  	_ =	shalt  }
0x6a: {  	_ =	shalt  }
0x6b: {  	_ =	shalt  }
0x6c: {  	_ =	shalt  }
0x6d: {  	_ =	shalt  }
0x6e: {  	_ =	shalt  }
0x6f: {  	_ =	shalt  }
0x70: {  	_ =	shalt  }
0x71: {  	_ =	shalt  }
0x72: {  	_ =	shalt  }
0x73: {  	_ =	shalt  }
0x74: {  	_ =	shalt  }
0x75: {  	_ =	shalt  }
0x76: {  	_ =	shalt  }
0x77: {  	_ =	shalt  }
0x78: {  	_ =	shalt  }
0x79: {  	_ =	shalt  }
0x7a: {  	_ =	shalt  }
0x7b: {  	_ =	shalt  }
0x7c: {  	_ =	shalt  }
0x7d: {  	_ =	shalt  }
0x7e: {  	_ =	shalt  }
0x7f: {  	_ =	shalt  }
0x80: {  	_ =	shalt  }
0x81: {  	_ =	shalt  }
0x82: {  	_ =	shalt  }
0x83: {  	_ =	shalt  }
0x84: {  	_ =	shalt  }
0x85: {  	_ =	shalt  }
0x86: {  	_ =	shalt  }
0x87: {  	_ =	shalt  }
.Lfunc_end0:
.L_simem_size_0:
called_computation_lowered:
.L_overlay_start_0:
0x88: {  	s0 =	sld [smem:$0x3FD9]  }
0x89: {  	s1 =	sld [smem:$0x3FFE];
	_ =	sdelay $0x3  }
0x8a: {  	s0 =	sadd.s32 s1, s0  }
0x8b: {  	[smem:$0x3FC5] =	sst s0  }
0x8c: {  	_ = 	snop  }
0x8d: {  	s0 =	sld [smem:$0x3FC8]  }
0x8e: {  	s16 =	sld [smem:$0x3FC7];
	(tm) =	ssettm $0x1  }
0x8f: {  	s2 =	sld [smem:$0x3FFB];
	_ =	sdelay $0x3  }
0x90: {  	_ =	strace s2  }
0x91: {  	s2 =	sld [smem:$0x3FFC];
	_ =	sdelay $0x3  }
0x92: {  	_ =	strace s2  }
0x93: {  	s2 =	sld [smem:$0x3FFD];
	_ =	sdelay $0x3  }
0x94: {  	_ =	strace s2  }
0x95: {  	_ =	strace $0x8FFFFFFF  }
0x96: {  	s17 =	sld [smem:$0x3FDB];
	_ =	sdelay $0x1  }
0x97: {  	s3 =	simm.s32 $_scs_section_size  }
0x98: {  	s4 =	simm.s32 $_size__tile_overlayer_lowered;
	s5 =	simm.s32 $_tile_overlayer_lowered  }
0x99: {  	s20 =	simm.s32 $0x1BFF;
	s19 =	sshll.u32 s5, $0x1;
	s2 =	sadd.s32 s3, s17  }
0x9a: {  	s6 =	simm.s32 $0x0;
	s18 =	sshll.u32 s4, $0x1;
	s4 =	sadd.s32 s19, s2  }
0x9b: {  	[timem:s6], [sflag:s20] =	dma.local [hbm:s4], s18  }
0x9c: {  	_ =	swait.ge [sflag:s20], s18  }
0x9d: {  	s3 =	ssub.s32 $0x0, s18;
	[sflag:s20] =	ssyncset.done $0x0  }
0x9e: {  	[sflag:s20] =	ssyncadd.s32 s3;
	_ =	sdelay $0x1  }
0x9f: {  	s21 =	simm.s32 $0x1B8B  }
0xa0: {  	_ =	swait.ge [sflag:s21], $0x1  }
0xa1: {  	[sflag:s21] =	ssyncset.done $0x0  }
0xa2: {  	s23 =	simm.s32 $0x1B8E;
	s22 =	sld [smem:$0x3FFE];
	[sflag:s21] =	ssyncadd.s32 $0xFFFFFFFF  }
0xa3: {  	s24 =	simm.s32 $execute0_lowered;
	[smem:$0x3FD2] =	sst s23  }
0xa4: {  	s4 =	sshll.u32 s24, $0x1;
	_ =	strace $0x80000046;
	[dreg:$0x1] =	wrdreg $0xFFFFFFFF  }
0xa5: {  	s25 =	simm.s32 $_size_execute0_lowered;
	s2 =	sadd.s32 s2, s4;
	[dreg:$0x0] =	wrdreg $0x0  }
0xa6: {  	s4 =	sshll.u32 s25, $0x1;
	[dreg:$0x2] =	wrdreg s2  }
0xa7: {  	[dreg:$0x3] =	wrdreg s4  }
0xa8: {  	[dreg:$0x4] =	wrdreg $0xC0  }
0xa9: {  	_ =	task [dreg:s6], $0x5FFFF  }
0xaa: {  	[dreg:$0x1] =	wrdreg $0xFFFFFFFF  }
0xab: {  	[dreg:$0x0] =	wrdreg $0x60  }
0xac: {  	[dreg:$0x2] =	wrdreg s0  }
0xad: {  	[dreg:$0x3] =	wrdreg s16  }
0xae: {  	[dreg:$0x4] =	wrdreg s22  }
0xaf: {  	[dreg:$0x5] =	wrdreg $0x9  }
0xb0: {  	_ =	task.clear_ibuf [dreg:s6], $0x6FFFF;
	_ =	strace $0x90000046  }
0xb1: {  	s26 =	simm.s32 $0x9;
	_ =	strace $0x80000048  }
0xb2: {  	_ =	swait.ge [sflag:s26], $0x1  }
0xb3: {  	[sflag:s26] =	ssyncadd.s32 $0xFFFFFFFF  }
0xb4: {  	_ =	strace $0x90000048  }
0xb5: {  	_ =	sfence  }
0xb6: {  	s28 =	sld [smem:$0x0];
	_ =	sdelay $0x1  }
0xb7: {  	s29 =	srdreg.scid  }
0xb8: {  	s30 =	sshll.u32 s29, $0xD;
	s31 =	sshrl.u32 s29, $0x2  }
0xb9: {  	s1 =	sand.u32 $0x1, s29;
	s2 =	sand.u32 $0x4000, s30;
	s0 =	sadd.s32 s31, s28  }
0xba: {  	s1 =	sor.u32 s2, s1;
	s0 =	sshll.u32 s0, $0x11  }
0xbb: {  	s0 =	sor.u32 s0, s1  }
0xbc: {  	s0 =	sadd.s32 $0x8F2B, s0  }
0xbd: {  	[sflag:s0] =	ssyncadd.remote.s32 $0x1  }
0xbe: {  	_ =	sfence.sel $0xFFFF  }
0xbf: {  	[dreg:$0x0] =	wrdreg $0xFFFFFFFF;
	(pc) =	sbr.abs _section_cstart, $3  }
0xc0: {  	[dreg:$0x1] =	wrdreg $0xFFFFFFFF  }
0xc1: {  	_ =	task.clear_ibuf [dreg:s6], $0x2FFFF;
	_ =	strace $0x9FFFFFFF  }
0xc2: {  	(tm) =	ssettm $0x7FFFFFFF  }
0xc3: {  	_ =	shalt  }
tec
execute0_lowered:
.L_overlay_start_1:
0x0: {  	(tag) =	ssettag $0x1  }
0x1: {  	s3 =	rddreg [dreg:$0x0]  }
0x2: {  	s2 =	rddreg [dreg:$0x1];
	s0 =	stileid.u32  }
0x3: {  	s7 =	rddreg [dreg:$0x2];
	s5 =	simm.s32 $0x0;
	s4 =	smul.u32 $0x1870, s0  }
0x4: {  	[smem:$0x7FF] =	sst s5  }
0x5: {  	s1 =	rddreg [dreg:$0x3];
	_ =	strace $0x80000047;
	s6 =	smin.u32 s4, $0x16E30  }
0x6: {  	[tilespmem:s5], [sflag:$0x1] =	stream.linear.gather [hbm4b:s2+s5], $0x64, $0x38;
	[tilespmem:$0x3180] =	vst v63  }
0x7: {  	s4 =	sshrl.u32 s6, $0x3;
	s6 =	sadd.s32 $0xC38, s6  }
0x8: {  	s26 =	simm.s32 $0x80;
	s8 =	sadd.s32 s3, s4;
	s2 =	sshrl.u32 s6, $0x3  }
0x9: {  	[tilespmem:s26], [sflag:$0x2] =	stream.linear.gather [hbm4b:s8+s5], $0xC38, $0x38;
	[tilespmem:$0x3180] =	vst v63  }
0xa: {  	s28 =	simm.s32 $0xCB8;
	s29 =	simm.s32 $0x1;
	s3 =	sadd.s32 s3, s2  }
0xb: {  	[tilespmem:s28], [sflag:$0x3] =	stream.linear.gather [hbm4b:s3+s5], $0xC38, $0x38;
	[tilespmem:$0x3180] =	vst v63  }
0xc: {  	_ =	swait.ge [sflag:s29], $0x64  }
0xd: {  	[sflag:s29] =	ssyncset.done $0x0  }
0xe: {  	s30 =	simm.s32 $0x2;
	[sflag:s29] =	ssyncadd.s32 $0xFFFFFF9C  }
0xf: {  	_ =	swait.ge [sflag:s30], $0xC38  }
0x10: {  	[sflag:s30] =	ssyncset.done $0x0  }
0x11: {  	s31 =	simm.s32 $0xC0;
	[sflag:s30] =	ssyncadd.s32 $0xFFFFF3C8  }
0x12: {  	v0 =	vld [tilespmem:s31+$0x30]  }
0x13: {  	v1 =	vld [tilespmem:s31+$0xFFFFFFD0]  }
0x14: {  	v2 =	vld [tilespmem:s31+$0xFFFFFFE0]  }
0x15: {  	v3 =	vld [tilespmem:s31+$0xFFFFFFF0]  }
0x16: {  	v4 =	vld [tilespmem:s31+$0x0]  }
0x17: {  	v6 =	vld [tilespmem:s31+$0x10]  }
0x18: {  	v7 =	vld [tilespmem:s31+$0x20]  }
0x19: {  	v8 =	vld [tilespmem:s31+$0xFFFFFFC0]  }
0x1a: {  	v9 =	vld.idx.msk [tilespmem:v0+s5+$0x0], $0xffff  }
0x1b: {  	v10 =	vld.idx.msk [tilespmem:v1+s5+$0x0], $0xffff  }
0x1c: {  	v5 =	vld.idx.msk [tilespmem:v2+s5+$0x0], $0xffff  }
0x1d: {  	v3 =	vld.idx.msk [tilespmem:v3+s5+$0x0], $0xffff  }
0x1e: {  	v0 =	vld.idx.msk [tilespmem:v4+s5+$0x0], $0xffff  }
0x1f: {  	s6 =	simm.s32 $0x1940;
	v1 =	vld.idx.msk [tilespmem:v6+s5+$0x0], $0xffff  }
0x20: {  	v2 =	vld.idx.msk [tilespmem:v7+s5+$0x0], $0xffff;
	[tilespmem:s6+$0x30] =	vst v9  }
0x21: {  	s8 =	simm.s32 $0x140;
	s3 =	sadd.s32 $0x600, s7;
	s7 =	simm.s32 $0x0;
	v4 =	vld.idx.msk [tilespmem:v8+s5+$0x0], $0xffff;
	[tilespmem:s6+$0xFFFFFFD0] =	vst v10  }
.LBB2_1:
0x22: {  	v6 =	vld [tilespmem:s8+$0x30];
	s7 =	sadd.s32 $0x80, s7;
	[tilespmem:s6+$0xFFFFFFE0] =	vst v5  }
0x23: {  	v5 =	vld [tilespmem:s8+$0xFFFFFFD0];
	p0 =	slt.u32 s7, $0xB80;
	[tilespmem:s6+$0xFFFFFFF0] =	vst v3  }
0x24: {  	v3 =	vld [tilespmem:s8+$0xFFFFFFE0];
	[tilespmem:s6+$0x0] =	vst v0  }
0x25: {  	v0 =	vld [tilespmem:s8+$0xFFFFFFF0];
	[tilespmem:s6+$0x10] =	vst v1  }
0x26: {  	v1 =	vld [tilespmem:s8+$0x0];
	[tilespmem:s6+$0x20] =	vst v2  }
0x27: {  	v2 =	vld [tilespmem:s8+$0x10];
	[tilespmem:s6+$0xFFFFFFC0] =	vst v4  }
0x28: {  	v4 =	vld [tilespmem:s8+$0x20]  }
0x29: {  	v7 =	vld [tilespmem:s8+$0xFFFFFFC0]  }
0x2a: {  	v6 =	vld.idx.msk [tilespmem:v6+s5+$0x0], $0xffff  }
0x2b: {  	v8 =	vld.idx.msk [tilespmem:v5+s5+$0x0], $0xffff  }
0x2c: {  	v5 =	vld.idx.msk [tilespmem:v3+s5+$0x0], $0xffff  }
.Ltmp0:
0x2d: {  	v3 =	vld.idx.msk [tilespmem:v0+s5+$0x0], $0xffff;
	(pc) =	sbr.rel @p0 .LBB2_1-.Ltmp0, $4  }
0x2e: {  	v0 =	vld.idx.msk [tilespmem:v1+s5+$0x0], $0xffff  }
0x2f: {  	s6 =	sadd.s32 $0x80, s6;
	v1 =	vld.idx.msk [tilespmem:v2+s5+$0x0], $0xffff  }
0x30: {  	v2 =	vld.idx.msk [tilespmem:v4+s5+$0x0], $0xffff;
	[tilespmem:s6+$0x30] =	vst v6  }
0x31: {  	s8 =	sadd.s32 $0x80, s8;
	v4 =	vld.idx.msk [tilespmem:v7+s5+$0x0], $0xffff;
	[tilespmem:s6+$0xFFFFFFD0] =	vst v8  }
0x32: {  	[tilespmem:s6+$0xFFFFFFE0] =	vst v5  }
0x33: {  	[tilespmem:s6+$0xFFFFFFF0] =	vst v3  }
0x34: {  	[tilespmem:s6+$0x0] =	vst v0  }
0x35: {  	[tilespmem:s6+$0x10] =	vst v1  }
0x36: {  	s5 =	simm.s32 $0xBF0;
	[tilespmem:s6+$0x20] =	vst v2  }
0x37: {  	s7 =	simm.s32 $0xC80;
	s8 =	simm.s32 $0x0;
	[tilespmem:s6+$0xFFFFFFC0] =	vst v4;
	s6 =	simm.s32 $0x2500  }
.LBB2_3:
0x38: {  	v0 =	vld [tilespmem:s7+$0x0];
	_ =	sdelay $0x6  }
0x39: {  	s5 =	sadd.s32 $0x10, s5  }
0x3a: {  	p0 =	slt.u32 s5, $0xC28;
	v0 =	vld.idx.msk [tilespmem:v0+s8+$0x0], $0xffff  }
.Ltmp1:
0x3b: {  	_ = 	snop;
	(pc) =	sbr.rel @p0 .LBB2_3-.Ltmp1, $2  }
0x3c: {  	_ =	sdelay $0x2  }
0x3d: {  	s7 =	sadd.s32 $0x10, s7;
	[tilespmem:s6+$0x0] =	vst v0;
	s6 =	sadd.s32 $0x10, s6  }
0x3e: {  	s5 =	sadd.s32 s3, s4  }
0x3f: {  	s4 =	simm.s32 $0x0;
	s6 =	simm.s32 $0x1900;
	s30 =	simm.s32 $0x3  }
0x40: {  	[hbm4b:s5+s4] =	stream.linear.scatter [tilespmem:s6], [sflag:$0x4], $0xC38, $0x38;
	[tilespmem:$0x3180] =	vst v63  }
0x41: {  	_ =	swait.ge [sflag:s30], $0xC38  }
0x42: {  	[sflag:s30] =	ssyncset.done $0x0  }
0x43: {  	s31 =	simm.s32 $0xD28;
	[sflag:s30] =	ssyncadd.s32 $0xFFFFF3C8  }
0x44: {  	v0 =	vld [tilespmem:s31+$0x0]  }
0x45: {  	v1 =	vld [tilespmem:s31+$0xFFFFFFA0]  }
0x46: {  	v2 =	vld [tilespmem:s31+$0xFFFFFFB0]  }
0x47: {  	v3 =	vld [tilespmem:s31+$0xFFFFFFC0]  }
0x48: {  	v4 =	vld [tilespmem:s31+$0xFFFFFFD0]  }
0x49: {  	v6 =	vld [tilespmem:s31+$0xFFFFFFE0]  }
0x4a: {  	v7 =	vld [tilespmem:s31+$0xFFFFFFF0]  }
0x4b: {  	v8 =	vld [tilespmem:s31+$0xFFFFFF90]  }
0x4c: {  	v9 =	vld.idx.msk [tilespmem:v0+s4+$0x0], $0xffff  }
0x4d: {  	v10 =	vld.idx.msk [tilespmem:v1+s4+$0x0], $0xffff  }
0x4e: {  	v5 =	vld.idx.msk [tilespmem:v2+s4+$0x0], $0xffff  }
0x4f: {  	v3 =	vld.idx.msk [tilespmem:v3+s4+$0x0], $0xffff  }
0x50: {  	v0 =	vld.idx.msk [tilespmem:v4+s4+$0x0], $0xffff  }
0x51: {  	s5 =	simm.s32 $0x25A8;
	v1 =	vld.idx.msk [tilespmem:v6+s4+$0x0], $0xffff  }
0x52: {  	v2 =	vld.idx.msk [tilespmem:v7+s4+$0x0], $0xffff;
	[tilespmem:s5+$0x0] =	vst v9  }
0x53: {  	s7 =	simm.s32 $0xDA8;
	s6 =	simm.s32 $0xC38;
	v4 =	vld.idx.msk [tilespmem:v8+s4+$0x0], $0xffff;
	[tilespmem:s5+$0xFFFFFFA0] =	vst v10  }
.LBB2_5:
0x54: {  	v6 =	vld [tilespmem:s7+$0x0];
	s6 =	sadd.s32 $0x80, s6;
	[tilespmem:s5+$0xFFFFFFB0] =	vst v5  }
0x55: {  	v5 =	vld [tilespmem:s7+$0xFFFFFFA0];
	p0 =	slt.u32 s6, $0x17B8;
	[tilespmem:s5+$0xFFFFFFC0] =	vst v3  }
0x56: {  	v3 =	vld [tilespmem:s7+$0xFFFFFFB0];
	[tilespmem:s5+$0xFFFFFFD0] =	vst v0  }
0x57: {  	v0 =	vld [tilespmem:s7+$0xFFFFFFC0];
	[tilespmem:s5+$0xFFFFFFE0] =	vst v1  }
0x58: {  	v1 =	vld [tilespmem:s7+$0xFFFFFFD0];
	[tilespmem:s5+$0xFFFFFFF0] =	vst v2  }
0x59: {  	v2 =	vld [tilespmem:s7+$0xFFFFFFE0];
	[tilespmem:s5+$0xFFFFFF90] =	vst v4  }
0x5a: {  	v4 =	vld [tilespmem:s7+$0xFFFFFFF0]  }
0x5b: {  	v7 =	vld [tilespmem:s7+$0xFFFFFF90]  }
0x5c: {  	v6 =	vld.idx.msk [tilespmem:v6+s4+$0x0], $0xffff  }
0x5d: {  	v8 =	vld.idx.msk [tilespmem:v5+s4+$0x0], $0xffff  }
0x5e: {  	v5 =	vld.idx.msk [tilespmem:v3+s4+$0x0], $0xffff  }
.Ltmp2:
0x5f: {  	v3 =	vld.idx.msk [tilespmem:v0+s4+$0x0], $0xffff;
	(pc) =	sbr.rel @p0 .LBB2_5-.Ltmp2, $4  }
0x60: {  	v0 =	vld.idx.msk [tilespmem:v1+s4+$0x0], $0xffff  }
0x61: {  	s5 =	sadd.s32 $0x80, s5;
	v1 =	vld.idx.msk [tilespmem:v2+s4+$0x0], $0xffff  }
0x62: {  	v2 =	vld.idx.msk [tilespmem:v4+s4+$0x0], $0xffff;
	[tilespmem:s5+$0x0] =	vst v6  }
0x63: {  	s7 =	sadd.s32 $0x80, s7;
	v4 =	vld.idx.msk [tilespmem:v7+s4+$0x0], $0xffff;
	[tilespmem:s5+$0xFFFFFFA0] =	vst v8  }
0x64: {  	[tilespmem:s5+$0xFFFFFFB0] =	vst v5  }
0x65: {  	[tilespmem:s5+$0xFFFFFFC0] =	vst v3  }
0x66: {  	[tilespmem:s5+$0xFFFFFFD0] =	vst v0  }
0x67: {  	[tilespmem:s5+$0xFFFFFFE0] =	vst v1  }
0x68: {  	s4 =	simm.s32 $0x1828;
	[tilespmem:s5+$0xFFFFFFF0] =	vst v2  }
0x69: {  	s6 =	simm.s32 $0x18B8;
	s7 =	simm.s32 $0x0;
	[tilespmem:s5+$0xFFFFFF90] =	vst v4;
	s5 =	simm.s32 $0x3138  }
.LBB2_7:
0x6a: {  	v0 =	vld [tilespmem:s6+$0x0];
	_ =	sdelay $0x6  }
0x6b: {  	s4 =	sadd.s32 $0x10, s4  }
0x6c: {  	p0 =	slt.u32 s4, $0x1860;
	v0 =	vld.idx.msk [tilespmem:v0+s7+$0x0], $0xffff  }
.Ltmp3:
0x6d: {  	_ = 	snop;
	(pc) =	sbr.rel @p0 .LBB2_7-.Ltmp3, $2  }
0x6e: {  	_ =	sdelay $0x2  }
0x6f: {  	s6 =	sadd.s32 $0x10, s6;
	[tilespmem:s5+$0x0] =	vst v0;
	s5 =	sadd.s32 $0x10, s5  }
0x70: {  	s4 =	simm.s32 $0x4  }
0x71: {  	_ =	swait.ge [sflag:s4], $0xC38  }
0x72: {  	s2 =	sadd.s32 s3, s2;
	s29 =	simm.s32 $0x0;
	[sflag:s4] =	ssyncset.done $0x0  }
0x73: {  	s30 =	simm.s32 $0x2538;
	s31 =	simm.s32 $0x5;
	[sflag:s4] =	ssyncadd.s32 $0xFFFFF3C8  }
0x74: {  	[hbm4b:s2+s29] =	stream.linear.scatter [tilespmem:s30], [sflag:$0x5], $0xC38, $0x38;
	[tilespmem:$0x3180] =	vst v63  }
0x75: {  	_ =	swait.ge [sflag:s31], $0xC38  }
0x76: {  	[sflag:s31] =	ssyncset.done $0x0  }
0x77: {  	[sflag:s31] =	ssyncadd.s32 $0xFFFFF3C8  }
0x78: {  	_ =	sfence.sel $0x180000  }
0x79: {  	[bflag:$0x0] =	sbarrier.arrive $0xFFFF  }
0x7a: {  	p0 =	sne.s32 s0, $0x0;
	_ =	strace $0x90000047  }
0x7b: {  	s0 =	sadd.s32 @!p0 $0x100000, s1;
	[bflag:$0x2] =	sbarrier.arrive $0xFFFF  }
0x7c: {  	[sflag:s0] =	ssyncadd.tile.s32 @!p0 $0x1;
	_ =	shalt  }
.Lfunc_end2:
_tile_overlayer_lowered:
.L_overlay_start_2:
0x7d: {  	(tag) =	ssettag $0x2  }
0x7e: {  	s0 =	rddreg [dreg:$0x0];
	s2 =	stileid.u32  }
0x7f: {  	s1 =	rddreg [dreg:$0x1];
	p0 =	sne.s32 s2, $0x0  }
0x80: {  	s3 =	rddreg [dreg:$0x2];
	[bflag:$0x3] =	sbarrier.arrive $0xFFFF;
	s2 =	simm.s32 @!p0 $0x1C05  }
0x81: {  	[timem:s3], [sflag:s2] =	dma.local @!p0 [hbm:s0], s1  }
0x82: {  	s0 =	simm.s32 @!p0 $0x5  }
0x83: {  	_ =	swait.ge @!p0 [sflag:s0], s1  }
0x84: {  	s1 =	ssub.s32 @!p0 $0x0, s1;
	[sflag:s0] =	ssyncset.done @!p0 $0x0  }
0x85: {  	[sflag:s0] =	ssyncadd.s32 @!p0 s1  }
0x86: {  	[bflag:$0x3] =	sbarrier.arrive $0xFFFF  }
0x87: {  	_ =	shalt  }

</sc_bundles>
